<compile_context>
chip_gen: v7x
topology: tpu7x:2x2x1
jax: 0.10.2.dev20260603
libtpu: 0.0.44.dev20260713+nightly
codegen_flags: <defaults>
</compile_context>

<pallas_src>
import functools

import jax
import jax.numpy as jnp
from jax import lax
from jax.experimental import pallas as pl
from jax.experimental.pallas import tpu as pltpu
from jax.experimental.pallas import tpu_sc as plsc

SEQ = 32
BATCH = 32
VOCAB = 1_000_000
CHUNK = 65536
NSTEP = (VOCAB + CHUNK - 1) // CHUNK
WIN = 128
NTOK = SEQ * BATCH
PER_STEP = NTOK // NSTEP
NSEM = 8


def _reduce_extract_tc(logits, tokens):

    def body(tok_ref, logits_ref, any_ref, win_ref, logz_ref, m_ref, s_ref, sem):
        kk = pl.program_id(0)
        x = logits_ref[...]
        cols = kk * CHUNK + lax.broadcasted_iota(jnp.int32, (SEQ, CHUNK), 1)
        xm = jnp.where(cols < VOCAB, x, -jnp.inf)
        bm = jnp.max(xm, axis=1, keepdims=True)

        @pl.when(kk == 0)
        def _():
            m_ref[...] = jnp.full((SEQ, 1), -jnp.inf, jnp.float32)
            s_ref[...] = jnp.zeros((SEQ, 1), jnp.float32)

        m_old = m_ref[...]
        m_new = jnp.maximum(m_old, bm)
        s_ref[...] = s_ref[...] * jnp.exp(m_old - m_new) + jnp.sum(
            jnp.exp(xm - m_new), axis=1, keepdims=True
        )
        m_ref[...] = m_new

        def drain(idx, c):
            pltpu.make_async_copy(
                any_ref.at[pl.ds(0, 8), pl.ds(0, WIN)],
                win_ref.at[0],
                sem.at[lax.rem(idx, NSEM)],
            ).wait()
            return c

        @pl.when(kk > 0)
        def _():
            lax.fori_loop(0, PER_STEP, drain, 0)

        def issue(idx, c):
            f = kk * PER_STEP + idx
            i = f // BATCH
            t = tok_ref[f // BATCH, f % BATCH]
            ibase = (i // 8) * 8
            aligned = (t // WIN) * WIN
            pltpu.make_async_copy(
                any_ref.at[pl.ds(ibase, 8), pl.ds(aligned, WIN)],
                win_ref.at[f],
                sem.at[lax.rem(idx, NSEM)],
            ).start()
            return c

        lax.fori_loop(0, PER_STEP, issue, 0)

        @pl.when(kk == NSTEP - 1)
        def _():
            logz_ref[...] = m_ref[...] + jnp.log(s_ref[...])
            lax.fori_loop(0, PER_STEP, drain, 0)

    return pl.pallas_call(
        body,
        grid=(NSTEP,),
        in_specs=[
            pl.BlockSpec(memory_space=pltpu.SMEM),
            pl.BlockSpec((SEQ, CHUNK), lambda kk: (0, kk)),
            pl.BlockSpec(memory_space=pl.ANY),
        ],
        out_specs=[
            pl.BlockSpec(memory_space=pl.ANY),
            pl.BlockSpec((SEQ, 1), lambda kk: (0, 0)),
        ],
        out_shape=[
            jax.ShapeDtypeStruct((NTOK, 8, WIN), jnp.float32),
            jax.ShapeDtypeStruct((SEQ, 1), jnp.float32),
        ],
        scratch_shapes=[
            pltpu.VMEM((SEQ, 1), jnp.float32),
            pltpu.VMEM((SEQ, 1), jnp.float32),
            pltpu.SemaphoreType.DMA((NSEM,)),
        ],
        compiler_params=pltpu.CompilerParams(
            dimension_semantics=("arbitrary",),
        ),
    )(tokens, logits, logits)


def _gather_sc(tokens, wins, logz):
    mesh = plsc.VectorSubcoreMesh(core_axis_name="c", subcore_axis_name="s")

    @functools.partial(
        pl.kernel,
        mesh=mesh,
        compiler_params=pltpu.CompilerParams(needs_layout_passes=False),
        out_type=jax.ShapeDtypeStruct((SEQ, BATCH), jnp.float32),
        scratch_types=[
            pltpu.VMEM((BATCH,), jnp.int32),
            pltpu.VMEM((BATCH, 8, WIN), jnp.float32),
            pltpu.VMEM((SEQ,), jnp.float32),
            pltpu.VMEM((BATCH,), jnp.float32),
            pltpu.SemaphoreType.DMA,
        ],
    )
    def k(tokens_hbm, wins_hbm, logz_hbm, out_hbm, tok_v, win_v, lz_v, g_v, sem):
        wid = lax.axis_index("s") * 2 + lax.axis_index("c")
        pltpu.sync_copy(tokens_hbm.at[wid], tok_v)
        pltpu.sync_copy(logz_hbm, lz_v)
        pltpu.sync_copy(wins_hbm.at[pl.ds(wid * BATCH, BATCH)], win_v)
        lanes = lax.iota(jnp.int32, 16)
        sub_i = jnp.full((16,), lax.rem(wid, 8), jnp.int32)
        lzi = plsc.load_gather(lz_v, [jnp.full((16,), wid, jnp.int32)])
        for h in range(BATCH // 16):
            sl = pl.ds(h * 16, 16)
            t = tok_v[sl]
            g = plsc.load_gather(
                win_v, [h * 16 + lanes, sub_i, t & jnp.int32(WIN - 1)]
            )
            g_v[sl] = g - lzi
        pltpu.sync_copy(g_v, out_hbm.at[wid])

    return k(tokens, wins, logz)


def kernel(tokens, logits):
    wins, logz = _reduce_extract_tc(logits, tokens)
    return _gather_sc(tokens, wins, logz.reshape(SEQ))

# --- scband reference (transcript-rebuilt; emitter-appended) ---
"""Pipeline reference for scband-position-policy-12017318494620 (READ-ONLY COPY).

The authoritative reference and input builder live on the scoring server;
editing this copy changes nothing except your own understanding.
"""

import jax, jax.numpy as jnp
import numpy as np

SEQ_LEN = 32
VOCAB_SIZE = 1000000
BATCH = 32


def setup_inputs(seed: int = 0) -> dict:
    key = jax.random.key(seed)
    k1, k2 = jax.random.split(key)
    tokens = jax.random.randint(k1, (BATCH, SEQ_LEN), 0, VOCAB_SIZE, dtype=jnp.int32)
    # learned parameter: per-position logits (seq_len, vocab_size)
    logits = jax.random.normal(k2, (SEQ_LEN, VOCAB_SIZE), dtype=jnp.float32) * 0.02
    return {"tokens": tokens, "logits": logits}


def reference(tokens, logits):
    # Faithful translation of PositionPolicy.log_probs_of:
    #   lp = F.log_softmax(self.logits, dim=-1)
    #   return lp[torch.arange(self.seq_len), tokens.T].T
    # NOTE: advanced-indexing broadcast semantics are identical in torch and
    # jax/numpy; with BATCH == SEQ_LEN the expression is well-formed in both.
    lp = jax.nn.log_softmax(logits, axis=-1)
    return lp[jnp.arange(SEQ_LEN), tokens.T].T

if __name__ == "__main__":
    import jax
    _d = setup_inputs()
    print(jax.jit(kernel)(*tuple(_d.values())))

</pallas_src>

<mosaic_0001>
#map = affine_map<(d0, d1) -> (0, 0)>
#map1 = affine_map<(d0, d1) -> (0, 0, 0)>
#map2 = affine_map<(d0, d1) -> (0)>
module attributes {stable_mosaic.version = 14 : i64} {
  func.func @k(%arg0: i32, %arg1: i32, %arg2: memref<32x32xi32, #tpu.memory_space<hbm>>, %arg3: memref<1024x8x128xf32, #tpu.memory_space<hbm>>, %arg4: memref<32xf32, #tpu.memory_space<hbm>>, %arg5: memref<32x32xf32, #tpu.memory_space<hbm>>, %arg6: memref<32xi32, #tpu.memory_space<vmem>>, %arg7: memref<32x8x128xf32, #tpu.memory_space<vmem>>, %arg8: memref<32xf32, #tpu.memory_space<vmem>>, %arg9: memref<32xf32, #tpu.memory_space<vmem>>, %arg10: memref<!tpu.dma_semaphore, #tpu.memory_space<semaphore_mem>>) attributes {dimension_semantics = [#tpu.dimension_semantics<core_parallel>, #tpu.dimension_semantics<subcore_parallel>], iteration_bounds = array<i64: 2, 16>, scalar_prefetch = 0 : i64, scratch_operands = 5 : i64, tpu.core_type = #tpu.core_type<sc_vector_subcore>, window_params = [{transform_indices = #map}, {transform_indices = #map1}, {transform_indices = #map2}, {transform_indices = #map}]} {
    %mul3A = arith.constant 2 : i32
    %mul3A_0 = arith.muli %arg1, %mul3A : i32
    %add3A = arith.addi %mul3A_0, %arg0 : i32
    "tpu.region"() ({
      %run_scoped3A = tpu.sem_alloc : memref<!tpu.dma_semaphore, #tpu.memory_space<semaphore_mem>>
      %dma_start3A = arith.constant 0 : i32
      %dma_start3A_25 = tpu.memref_slice %arg2[%add3A, %dma_start3A] : memref<32x32xi32, #tpu.memory_space<hbm>> -> memref<1x32xi32, #tpu.memory_space<hbm>>
      %dma_start3A_26 = tpu.memref_squeeze %dma_start3A_25 : memref<1x32xi32, #tpu.memory_space<hbm>> -> memref<32xi32, #tpu.memory_space<hbm>>
      %dma_start3A_27 = arith.constant 0 : i32
      %dma_start3A_28 = tpu.memref_slice %arg2[%add3A, %dma_start3A_27] : memref<32x32xi32, #tpu.memory_space<hbm>> -> memref<1x32xi32, #tpu.memory_space<hbm>>
      %dma_start3A_29 = tpu.memref_squeeze %dma_start3A_28 : memref<1x32xi32, #tpu.memory_space<hbm>> -> memref<32xi32, #tpu.memory_space<hbm>>
      tpu.enqueue_dma source(%dma_start3A_29 : memref<32xi32, #tpu.memory_space<hbm>>) target(%arg6 : memref<32xi32, #tpu.memory_space<vmem>>) target_semaphore(%run_scoped3A : memref<!tpu.dma_semaphore, #tpu.memory_space<semaphore_mem>>)
      %dma_wait3A = arith.constant 0 : i32
      %dma_wait3A_30 = tpu.memref_slice %arg2[%add3A, %dma_wait3A] : memref<32x32xi32, #tpu.memory_space<hbm>> -> memref<1x32xi32, #tpu.memory_space<hbm>>
      %dma_wait3A_31 = tpu.memref_squeeze %dma_wait3A_30 : memref<1x32xi32, #tpu.memory_space<hbm>> -> memref<32xi32, #tpu.memory_space<hbm>>
      %dma_wait3A_32 = arith.constant 0 : i32
      %dma_wait3A_33 = tpu.memref_slice %arg2[%add3A, %dma_wait3A_32] : memref<32x32xi32, #tpu.memory_space<hbm>> -> memref<1x32xi32, #tpu.memory_space<hbm>>
      %dma_wait3A_34 = tpu.memref_squeeze %dma_wait3A_33 : memref<1x32xi32, #tpu.memory_space<hbm>> -> memref<32xi32, #tpu.memory_space<hbm>>
      tpu.wait_dma2 semaphore(%run_scoped3A : memref<!tpu.dma_semaphore, #tpu.memory_space<semaphore_mem>>) src(%dma_wait3A_34 : memref<32xi32, #tpu.memory_space<hbm>>) dst(%arg6 : memref<32xi32, #tpu.memory_space<vmem>>)
      tpu.yield
    }) : () -> ()
    "tpu.region"() ({
      %run_scoped3A = tpu.sem_alloc : memref<!tpu.dma_semaphore, #tpu.memory_space<semaphore_mem>>
      tpu.enqueue_dma source(%arg4 : memref<32xf32, #tpu.memory_space<hbm>>) target(%arg8 : memref<32xf32, #tpu.memory_space<vmem>>) target_semaphore(%run_scoped3A : memref<!tpu.dma_semaphore, #tpu.memory_space<semaphore_mem>>)
      tpu.wait_dma2 semaphore(%run_scoped3A : memref<!tpu.dma_semaphore, #tpu.memory_space<semaphore_mem>>) src(%arg4 : memref<32xf32, #tpu.memory_space<hbm>>) dst(%arg8 : memref<32xf32, #tpu.memory_space<vmem>>)
      tpu.yield
    }) : () -> ()
    %mul3A_1 = arith.constant 32 : i32
    %mul3A_2 = arith.muli %add3A, %mul3A_1 : i32
    "tpu.region"() ({
      %run_scoped3A = tpu.sem_alloc : memref<!tpu.dma_semaphore, #tpu.memory_space<semaphore_mem>>
      %dma_start3A = arith.constant 0 : i32
      %dma_start3A_25 = arith.constant 0 : i32
      %dma_start3A_26 = tpu.memref_slice %arg3[%mul3A_2, %dma_start3A, %dma_start3A_25] : memref<1024x8x128xf32, #tpu.memory_space<hbm>> -> memref<32x8x128xf32, #tpu.memory_space<hbm>>
      %dma_start3A_27 = arith.constant 0 : i32
      %dma_start3A_28 = arith.constant 0 : i32
      %dma_start3A_29 = tpu.memref_slice %arg3[%mul3A_2, %dma_start3A_27, %dma_start3A_28] : memref<1024x8x128xf32, #tpu.memory_space<hbm>> -> memref<32x8x128xf32, #tpu.memory_space<hbm>>
      tpu.enqueue_dma source(%dma_start3A_29 : memref<32x8x128xf32, #tpu.memory_space<hbm>>) target(%arg7 : memref<32x8x128xf32, #tpu.memory_space<vmem>>) target_semaphore(%run_scoped3A : memref<!tpu.dma_semaphore, #tpu.memory_space<semaphore_mem>>)
      %dma_wait3A = arith.constant 0 : i32
      %dma_wait3A_30 = arith.constant 0 : i32
      %dma_wait3A_31 = tpu.memref_slice %arg3[%mul3A_2, %dma_wait3A, %dma_wait3A_30] : memref<1024x8x128xf32, #tpu.memory_space<hbm>> -> memref<32x8x128xf32, #tpu.memory_space<hbm>>
      %dma_wait3A_32 = arith.constant 0 : i32
      %dma_wait3A_33 = arith.constant 0 : i32
      %dma_wait3A_34 = tpu.memref_slice %arg3[%mul3A_2, %dma_wait3A_32, %dma_wait3A_33] : memref<1024x8x128xf32, #tpu.memory_space<hbm>> -> memref<32x8x128xf32, #tpu.memory_space<hbm>>
      tpu.wait_dma2 semaphore(%run_scoped3A : memref<!tpu.dma_semaphore, #tpu.memory_space<semaphore_mem>>) src(%dma_wait3A_34 : memref<32x8x128xf32, #tpu.memory_space<hbm>>) dst(%arg7 : memref<32x8x128xf32, #tpu.memory_space<vmem>>)
      tpu.yield
    }) : () -> ()
    %iota3A = tpu.iota {dimensions = array<i32: 0>} : vector<16xi32>
    %rem3A = arith.constant 8 : i32
    %rem3A_3 = arith.remsi %add3A, %rem3A : i32
    %broadcast_in_dim3A = vector.broadcast %rem3A_3 : i32 to vector<16xi32>
    %broadcast_in_dim3A_4 = vector.broadcast %add3A : i32 to vector<16xi32>
    %gather3A = tpu.vector_load_idx %arg8[%broadcast_in_dim3A_4] : memref<32xf32, #tpu.memory_space<vmem>>[vector<16xi32>], vector<16xf32>,
    %get3A = arith.constant 0 : index
    %get3A_5 = tpu.vector_load %arg6[%get3A] {strides = array<i32>} : memref<32xi32, #tpu.memory_space<vmem>>, vector<16xi32>,
    %add3A_6 = arith.constant 0 : i32
    %add3A_7 = vector.broadcast %add3A_6 : i32 to vector<16xi32>
    %add3A_8 = arith.addi %add3A_7, %iota3A : vector<16xi32>
    %and3A = arith.constant 127 : i32
    %and3A_9 = vector.broadcast %and3A : i32 to vector<16xi32>
    %and3A_10 = arith.andi %get3A_5, %and3A_9 : vector<16xi32>
    %gather3A_11 = tpu.vector_load_idx %arg7[%add3A_8, %broadcast_in_dim3A, %and3A_10] : memref<32x8x128xf32, #tpu.memory_space<vmem>>[vector<16xi32>, vector<16xi32>, vector<16xi32>], vector<16xf32>,
    %sub3A = arith.subf %gather3A_11, %gather3A : vector<16xf32>
    %swap3A = arith.constant 0 : index
    %swap3A_12 = tpu.vector_load %arg9[%swap3A] {strides = array<i32>} : memref<32xf32, #tpu.memory_space<vmem>>, vector<16xf32>,
    tpu.vector_store %arg9[%swap3A], %sub3A {strides = array<i32>} : memref<32xf32, #tpu.memory_space<vmem>>, vector<16xf32>,
    %get3A_13 = arith.constant 16 : index
    %get3A_14 = tpu.vector_load %arg6[%get3A_13] {strides = array<i32>} : memref<32xi32, #tpu.memory_space<vmem>>, vector<16xi32>,
    %add3A_15 = arith.constant 16 : i32
    %add3A_16 = vector.broadcast %add3A_15 : i32 to vector<16xi32>
    %add3A_17 = arith.addi %add3A_16, %iota3A : vector<16xi32>
    %and3A_18 = arith.constant 127 : i32
    %and3A_19 = vector.broadcast %and3A_18 : i32 to vector<16xi32>
    %and3A_20 = arith.andi %get3A_14, %and3A_19 : vector<16xi32>
    %gather3A_21 = tpu.vector_load_idx %arg7[%add3A_17, %broadcast_in_dim3A, %and3A_20] : memref<32x8x128xf32, #tpu.memory_space<vmem>>[vector<16xi32>, vector<16xi32>, vector<16xi32>], vector<16xf32>,
    %sub3A_22 = arith.subf %gather3A_21, %gather3A : vector<16xf32>
    %swap3A_23 = arith.constant 16 : index
    %swap3A_24 = tpu.vector_load %arg9[%swap3A_23] {strides = array<i32>} : memref<32xf32, #tpu.memory_space<vmem>>, vector<16xf32>,
    tpu.vector_store %arg9[%swap3A_23], %sub3A_22 {strides = array<i32>} : memref<32xf32, #tpu.memory_space<vmem>>, vector<16xf32>,
    "tpu.region"() ({
      %run_scoped3A = tpu.sem_alloc : memref<!tpu.dma_semaphore, #tpu.memory_space<semaphore_mem>>
      %dma_start3A = arith.constant 0 : i32
      %dma_start3A_25 = tpu.memref_slice %arg5[%add3A, %dma_start3A] : memref<32x32xf32, #tpu.memory_space<hbm>> -> memref<1x32xf32, #tpu.memory_space<hbm>>
      %dma_start3A_26 = tpu.memref_squeeze %dma_start3A_25 : memref<1x32xf32, #tpu.memory_space<hbm>> -> memref<32xf32, #tpu.memory_space<hbm>>
      %dma_start3A_27 = arith.constant 0 : i32
      %dma_start3A_28 = tpu.memref_slice %arg5[%add3A, %dma_start3A_27] : memref<32x32xf32, #tpu.memory_space<hbm>> -> memref<1x32xf32, #tpu.memory_space<hbm>>
      %dma_start3A_29 = tpu.memref_squeeze %dma_start3A_28 : memref<1x32xf32, #tpu.memory_space<hbm>> -> memref<32xf32, #tpu.memory_space<hbm>>
      tpu.enqueue_dma source(%arg9 : memref<32xf32, #tpu.memory_space<vmem>>) target(%dma_start3A_29 : memref<32xf32, #tpu.memory_space<hbm>>) target_semaphore(%run_scoped3A : memref<!tpu.dma_semaphore, #tpu.memory_space<semaphore_mem>>)
      %dma_wait3A = arith.constant 0 : i32
      %dma_wait3A_30 = tpu.memref_slice %arg5[%add3A, %dma_wait3A] : memref<32x32xf32, #tpu.memory_space<hbm>> -> memref<1x32xf32, #tpu.memory_space<hbm>>
      %dma_wait3A_31 = tpu.memref_squeeze %dma_wait3A_30 : memref<1x32xf32, #tpu.memory_space<hbm>> -> memref<32xf32, #tpu.memory_space<hbm>>
      %dma_wait3A_32 = arith.constant 0 : i32
      %dma_wait3A_33 = tpu.memref_slice %arg5[%add3A, %dma_wait3A_32] : memref<32x32xf32, #tpu.memory_space<hbm>> -> memref<1x32xf32, #tpu.memory_space<hbm>>
      %dma_wait3A_34 = tpu.memref_squeeze %dma_wait3A_33 : memref<1x32xf32, #tpu.memory_space<hbm>> -> memref<32xf32, #tpu.memory_space<hbm>>
      tpu.wait_dma2 semaphore(%run_scoped3A : memref<!tpu.dma_semaphore, #tpu.memory_space<semaphore_mem>>) src(%arg9 : memref<32xf32, #tpu.memory_space<vmem>>) dst(%dma_wait3A_34 : memref<32xf32, #tpu.memory_space<hbm>>)
      tpu.yield
    }) : () -> ()
    return
  }
}

module attributes {stable_mosaic.version = 14 : i64} {
  func.func @body(%arg0: i32, %arg1: memref<32x32xi32, #tpu.memory_space<smem>>, %arg2: memref<32x65536xf32, #tpu.memory_space<vmem>>, %arg3: memref<32x1000000xf32, #tpu.memory_space<any>>, %arg4: memref<1024x8x128xf32, #tpu.memory_space<any>>, %arg5: memref<32x1xf32, #tpu.memory_space<vmem>>, %arg6: memref<32x1xf32, #tpu.memory_space<vmem>>, %arg7: memref<32x1xf32, #tpu.memory_space<vmem>>, %arg8: memref<8x!tpu.dma_semaphore, #tpu.memory_space<semaphore_mem>>) attributes {dimension_semantics = [#tpu.dimension_semantics<arbitrary>], iteration_bounds = array<i64: 16>, scalar_prefetch = 0 : i64, scratch_operands = 3 : i64, tpu.core_type = #tpu.core_type<tc>, window_params = [{transform_indices = @transform_0, window_bounds = array<i64: 32, 32>}, {transform_indices = @transform_1, window_bounds = array<i64: 32, 65536>}, {}, {}, {pipeline_mode = #tpu.pipeline_mode<synchronous>, transform_indices = @transform_4, window_bounds = array<i64: 32, 1>}]} {
    %get3A = arith.constant 0 : index
    %get3A_0 = arith.constant 0 : index
    %get3A_1 = vector.load %arg2[%get3A, %get3A_0] : memref<32x65536xf32, #tpu.memory_space<vmem>>, vector<32x65536xf32>
    %mul3A = arith.constant 65536 : i32
    %mul3A_2 = arith.muli %arg0, %mul3A : i32
    %iota3A = tpu.iota {dimensions = array<i32: 1>} : vector<32x65536xi32>
    %add3A = vector.broadcast %mul3A_2 : i32 to vector<32x65536xi32>
    %add3A_3 = arith.addi %add3A, %iota3A : vector<32x65536xi32>
    %lt3A = arith.constant 1000000 : i32
    %lt3A_4 = vector.broadcast %lt3A : i32 to vector<32x65536xi32>
    %lt3A_5 = arith.cmpi slt, %add3A_3, %lt3A_4 : vector<32x65536xi32>
    %jit3A = arith.constant 0xFF800000 : f32
    %broadcast_in_dim3A = vector.broadcast %jit3A : f32 to vector<32x65536xf32>
    %select_n3A = arith.select %lt3A_5, %get3A_1, %broadcast_in_dim3A : vector<32x65536xi1>, vector<32x65536xf32>
    %reduce_max3A = arith.constant dense<0xFF800000> : vector<32xf32>
    %reduce_max3A_6 = vector.multi_reduction <maximumf>, %select_n3A, %reduce_max3A [1] : vector<32x65536xf32> to vector<32xf32>
    %broadcast_in_dim3A_7 = vector.shape_cast %reduce_max3A_6 : vector<32xf32> to vector<32x1xf32>
    %eq3A = arith.constant 0 : i32
    %eq3A_8 = arith.cmpi eq, %arg0, %eq3A : i32
    %convert_element_type3A = arith.extui %eq3A_8 : i1 to i32
    %cond3A = arith.constant 0 : i32
    %cond3A_9 = arith.cmpi ne, %convert_element_type3A, %cond3A : i32
    scf.if %cond3A_9 {
      %broadcast_in_dim3A_41 = arith.constant 0xFF800000 : f32
      %broadcast_in_dim3A_42 = vector.broadcast %broadcast_in_dim3A_41 : f32 to vector<32x1xf32>
      %swap3A_43 = arith.constant 0 : index
      %swap3A_44 = arith.constant 0 : index
      %swap3A_45 = vector.load %arg6[%swap3A_43, %swap3A_44] : memref<32x1xf32, #tpu.memory_space<vmem>>, vector<32x1xf32>
      tpu.vector_store %arg6[%swap3A_43, %swap3A_44], %broadcast_in_dim3A_42 {strides = array<i32>} : memref<32x1xf32, #tpu.memory_space<vmem>>, vector<32x1xf32>,
      %broadcast_in_dim3A_46 = arith.constant 0.000000e+00 : f32
      %broadcast_in_dim3A_47 = vector.broadcast %broadcast_in_dim3A_46 : f32 to vector<32x1xf32>
      %swap3A_48 = arith.constant 0 : index
      %swap3A_49 = arith.constant 0 : index
      %swap3A_50 = vector.load %arg7[%swap3A_48, %swap3A_49] : memref<32x1xf32, #tpu.memory_space<vmem>>, vector<32x1xf32>
      tpu.vector_store %arg7[%swap3A_48, %swap3A_49], %broadcast_in_dim3A_47 {strides = array<i32>} : memref<32x1xf32, #tpu.memory_space<vmem>>, vector<32x1xf32>,
    } else {
    }
    %get3A_10 = arith.constant 0 : index
    %get3A_11 = arith.constant 0 : index
    %get3A_12 = vector.load %arg6[%get3A_10, %get3A_11] : memref<32x1xf32, #tpu.memory_space<vmem>>, vector<32x1xf32>
    %max3A = arith.maximumf %get3A_12, %broadcast_in_dim3A_7 : vector<32x1xf32>
    %get3A_13 = arith.constant 0 : index
    %get3A_14 = arith.constant 0 : index
    %get3A_15 = vector.load %arg7[%get3A_13, %get3A_14] : memref<32x1xf32, #tpu.memory_space<vmem>>, vector<32x1xf32>
    %sub3A = arith.subf %get3A_12, %max3A : vector<32x1xf32>
    %exp3A = math.exp %sub3A : vector<32x1xf32>
    %mul3A_16 = arith.mulf %get3A_15, %exp3A : vector<32x1xf32>
    %sub3A_17 = vector.broadcast %max3A : vector<32x1xf32> to vector<32x65536xf32>
    %sub3A_18 = arith.subf %select_n3A, %sub3A_17 : vector<32x65536xf32>
    %exp3A_19 = math.exp %sub3A_18 : vector<32x65536xf32>
    %reduce_sum3A = arith.constant dense<0.000000e+00> : vector<32xf32>
    %reduce_sum3A_20 = vector.multi_reduction <add>, %exp3A_19, %reduce_sum3A [1] : vector<32x65536xf32> to vector<32xf32>
    %broadcast_in_dim3A_21 = vector.shape_cast %reduce_sum3A_20 : vector<32xf32> to vector<32x1xf32>
    %add3A_22 = arith.addf %mul3A_16, %broadcast_in_dim3A_21 : vector<32x1xf32>
    %swap3A = arith.constant 0 : index
    %swap3A_23 = arith.constant 0 : index
    %swap3A_24 = vector.load %arg7[%swap3A, %swap3A_23] : memref<32x1xf32, #tpu.memory_space<vmem>>, vector<32x1xf32>
    tpu.vector_store %arg7[%swap3A, %swap3A_23], %add3A_22 {strides = array<i32>} : memref<32x1xf32, #tpu.memory_space<vmem>>, vector<32x1xf32>,
    %swap3A_25 = arith.constant 0 : index
    %swap3A_26 = arith.constant 0 : index
    %swap3A_27 = vector.load %arg6[%swap3A_25, %swap3A_26] : memref<32x1xf32, #tpu.memory_space<vmem>>, vector<32x1xf32>
    tpu.vector_store %arg6[%swap3A_25, %swap3A_26], %max3A {strides = array<i32>} : memref<32x1xf32, #tpu.memory_space<vmem>>, vector<32x1xf32>,
    %gt3A = arith.constant 0 : i32
    %gt3A_28 = arith.cmpi sgt, %arg0, %gt3A : i32
    %convert_element_type3A_29 = arith.extui %gt3A_28 : i1 to i32
    %cond3A_30 = arith.constant 0 : i32
    %cond3A_31 = arith.cmpi ne, %convert_element_type3A_29, %cond3A_30 : i32
    scf.if %cond3A_31 {
      %scan3A_41 = arith.constant 0 : i32
      %scan3A_42 = arith.constant 64 : i32
      %scan3A_43 = arith.addi %scan3A_41, %scan3A_42 : i32
      %scan3A_44 = arith.constant 1 : i32
      scf.for %scan3A_46 = %scan3A_41 to %scan3A_43 step %scan3A_44  : i32 {
        %rem3A = arith.constant 8 : i32
        %rem3A_47 = arith.remsi %scan3A_46, %rem3A : i32
        %dma_wait3A = arith.constant 0 : i32
        %dma_wait3A_48 = tpu.memref_slice %arg8[%rem3A_47] : memref<8x!tpu.dma_semaphore, #tpu.memory_space<semaphore_mem>> -> memref<1x!tpu.dma_semaphore, #tpu.memory_space<semaphore_mem>>
        %dma_wait3A_49 = tpu.memref_squeeze %dma_wait3A_48 : memref<1x!tpu.dma_semaphore, #tpu.memory_space<semaphore_mem>> -> memref<!tpu.dma_semaphore, #tpu.memory_space<semaphore_mem>>
        %dma_wait3A_50 = arith.constant 0 : i32
        %dma_wait3A_51 = arith.constant 0 : i32
        %dma_wait3A_52 = tpu.memref_slice %arg4[%dma_wait3A, %dma_wait3A_50, %dma_wait3A_51] : memref<1024x8x128xf32, #tpu.memory_space<any>> -> memref<1x8x128xf32, #tpu.memory_space<any>>
        %dma_wait3A_53 = tpu.memref_squeeze %dma_wait3A_52 : memref<1x8x128xf32, #tpu.memory_space<any>> -> memref<8x128xf32, #tpu.memory_space<any>>
        %dma_wait3A_54 = arith.constant 0 : i32
        %dma_wait3A_55 = arith.constant 0 : i32
        %dma_wait3A_56 = tpu.memref_slice %arg3[%dma_wait3A_54, %dma_wait3A_55] : memref<32x1000000xf32, #tpu.memory_space<any>> -> memref<8x128xf32, #tpu.memory_space<any>>
        tpu.wait_dma2 semaphore(%dma_wait3A_49 : memref<!tpu.dma_semaphore, #tpu.memory_space<semaphore_mem>>) src(%dma_wait3A_56 : memref<8x128xf32, #tpu.memory_space<any>>) dst(%dma_wait3A_53 : memref<8x128xf32, #tpu.memory_space<any>>)
      }
      %scan3A_45 = arith.constant 64 : i32
    } else {
    }
    %scan3A = arith.constant 0 : i32
    %scan3A_32 = arith.constant 64 : i32
    %scan3A_33 = arith.addi %scan3A, %scan3A_32 : i32
    %scan3A_34 = arith.constant 1 : i32
    scf.for %scan3A_41 = %scan3A to %scan3A_33 step %scan3A_34  : i32 {
      %mul3A_42 = arith.constant 64 : i32
      %mul3A_43 = arith.muli %arg0, %mul3A_42 : i32
      %add3A_44 = arith.addi %mul3A_43, %scan3A_41 : i32
      %jit3A_45 = arith.constant 32 : i32
      %div3A = arith.divsi %add3A_44, %jit3A_45 : i32
      %sign3A = arith.constant 0 : i32
      %sign3A_46 = arith.cmpi sgt, %add3A_44, %sign3A : i32
      %sign3A_47 = arith.extui %sign3A_46 : i1 to i32
      %sign3A_48 = arith.constant 0 : i32
      %sign3A_49 = arith.cmpi slt, %add3A_44, %sign3A_48 : i32
      %sign3A_50 = arith.extui %sign3A_49 : i1 to i32
      %sign3A_51 = arith.subi %sign3A_47, %sign3A_50 : i32
      %sign3A_52 = arith.constant 0 : i32
      %sign3A_53 = arith.cmpi sgt, %jit3A_45, %sign3A_52 : i32
      %sign3A_54 = arith.extui %sign3A_53 : i1 to i32
      %sign3A_55 = arith.constant 0 : i32
      %sign3A_56 = arith.cmpi slt, %jit3A_45, %sign3A_55 : i32
      %sign3A_57 = arith.extui %sign3A_56 : i1 to i32
      %sign3A_58 = arith.subi %sign3A_54, %sign3A_57 : i32
      %ne3A = arith.cmpi ne, %sign3A_51, %sign3A_58 : i32
      %rem3A = arith.remsi %add3A_44, %jit3A_45 : i32
      %ne3A_59 = arith.constant 0 : i32
      %ne3A_60 = arith.cmpi ne, %rem3A, %ne3A_59 : i32
      %and3A = arith.andi %ne3A, %ne3A_60 : i1
      %sub3A_61 = arith.constant 1 : i32
      %sub3A_62 = arith.subi %div3A, %sub3A_61 : i32
      %select_n3A_63 = arith.select %and3A, %sub3A_62, %div3A : i32
      %jit3A_64 = arith.constant 32 : i32
      %div3A_65 = arith.divsi %add3A_44, %jit3A_64 : i32
      %sign3A_66 = arith.constant 0 : i32
      %sign3A_67 = arith.cmpi sgt, %add3A_44, %sign3A_66 : i32
      %sign3A_68 = arith.extui %sign3A_67 : i1 to i32
      %sign3A_69 = arith.constant 0 : i32
      %sign3A_70 = arith.cmpi slt, %add3A_44, %sign3A_69 : i32
      %sign3A_71 = arith.extui %sign3A_70 : i1 to i32
      %sign3A_72 = arith.subi %sign3A_68, %sign3A_71 : i32
      %sign3A_73 = arith.constant 0 : i32
      %sign3A_74 = arith.cmpi sgt, %jit3A_64, %sign3A_73 : i32
      %sign3A_75 = arith.extui %sign3A_74 : i1 to i32
      %sign3A_76 = arith.constant 0 : i32
      %sign3A_77 = arith.cmpi slt, %jit3A_64, %sign3A_76 : i32
      %sign3A_78 = arith.extui %sign3A_77 : i1 to i32
      %sign3A_79 = arith.subi %sign3A_75, %sign3A_78 : i32
      %ne3A_80 = arith.cmpi ne, %sign3A_72, %sign3A_79 : i32
      %rem3A_81 = arith.remsi %add3A_44, %jit3A_64 : i32
      %ne3A_82 = arith.constant 0 : i32
      %ne3A_83 = arith.cmpi ne, %rem3A_81, %ne3A_82 : i32
      %and3A_84 = arith.andi %ne3A_80, %ne3A_83 : i1
      %sub3A_85 = arith.constant 1 : i32
      %sub3A_86 = arith.subi %div3A_65, %sub3A_85 : i32
      %select_n3A_87 = arith.select %and3A_84, %sub3A_86, %div3A_65 : i32
      %jit3A_88 = arith.constant 32 : i32
      %eq3A_89 = arith.constant 0 : i32
      %eq3A_90 = arith.cmpi eq, %jit3A_88, %eq3A_89 : i32
      %jit3A_91 = arith.constant 1 : i32
      %select_n3A_92 = arith.select %eq3A_90, %jit3A_91, %jit3A_88 : i32
      %rem3A_93 = arith.remsi %add3A_44, %select_n3A_92 : i32
      %ne3A_94 = arith.constant 0 : i32
      %ne3A_95 = arith.cmpi ne, %rem3A_93, %ne3A_94 : i32
      %lt3A_96 = arith.constant 0 : i32
      %lt3A_97 = arith.cmpi slt, %rem3A_93, %lt3A_96 : i32
      %lt3A_98 = arith.constant 0 : i32
      %lt3A_99 = arith.cmpi slt, %select_n3A_92, %lt3A_98 : i32
      %ne3A_100 = arith.xori %lt3A_97, %lt3A_99 : i1
      %and3A_101 = arith.andi %ne3A_100, %ne3A_95 : i1
      %add3A_102 = arith.addi %rem3A_93, %select_n3A_92 : i32
      %select_n3A_103 = arith.select %and3A_101, %add3A_102, %rem3A_93 : i32
      %get3A_104 = arith.index_cast %select_n3A_87 : i32 to index
      %get3A_105 = arith.index_cast %select_n3A_103 : i32 to index
      %get3A_106 = memref.load %arg1[%get3A_104, %get3A_105] : memref<32x32xi32, #tpu.memory_space<smem>>
      %jit3A_107 = arith.constant 8 : i32
      %div3A_108 = arith.divsi %select_n3A_63, %jit3A_107 : i32
      %sign3A_109 = arith.constant 0 : i32
      %sign3A_110 = arith.cmpi sgt, %select_n3A_63, %sign3A_109 : i32
      %sign3A_111 = arith.extui %sign3A_110 : i1 to i32
      %sign3A_112 = arith.constant 0 : i32
      %sign3A_113 = arith.cmpi slt, %select_n3A_63, %sign3A_112 : i32
      %sign3A_114 = arith.extui %sign3A_113 : i1 to i32
      %sign3A_115 = arith.subi %sign3A_111, %sign3A_114 : i32
      %sign3A_116 = arith.constant 0 : i32
      %sign3A_117 = arith.cmpi sgt, %jit3A_107, %sign3A_116 : i32
      %sign3A_118 = arith.extui %sign3A_117 : i1 to i32
      %sign3A_119 = arith.constant 0 : i32
      %sign3A_120 = arith.cmpi slt, %jit3A_107, %sign3A_119 : i32
      %sign3A_121 = arith.extui %sign3A_120 : i1 to i32
      %sign3A_122 = arith.subi %sign3A_118, %sign3A_121 : i32
      %ne3A_123 = arith.cmpi ne, %sign3A_115, %sign3A_122 : i32
      %rem3A_124 = arith.remsi %select_n3A_63, %jit3A_107 : i32
      %ne3A_125 = arith.constant 0 : i32
      %ne3A_126 = arith.cmpi ne, %rem3A_124, %ne3A_125 : i32
      %and3A_127 = arith.andi %ne3A_123, %ne3A_126 : i1
      %sub3A_128 = arith.constant 1 : i32
      %sub3A_129 = arith.subi %div3A_108, %sub3A_128 : i32
      %select_n3A_130 = arith.select %and3A_127, %sub3A_129, %div3A_108 : i32
      %mul3A_131 = arith.constant 8 : i32
      %mul3A_132 = arith.muli %select_n3A_130, %mul3A_131 : i32
      %jit3A_133 = arith.constant 128 : i32
      %div3A_134 = arith.divsi %get3A_106, %jit3A_133 : i32
      %sign3A_135 = arith.constant 0 : i32
      %sign3A_136 = arith.cmpi sgt, %get3A_106, %sign3A_135 : i32
      %sign3A_137 = arith.extui %sign3A_136 : i1 to i32
      %sign3A_138 = arith.constant 0 : i32
      %sign3A_139 = arith.cmpi slt, %get3A_106, %sign3A_138 : i32
      %sign3A_140 = arith.extui %sign3A_139 : i1 to i32
      %sign3A_141 = arith.subi %sign3A_137, %sign3A_140 : i32
      %sign3A_142 = arith.constant 0 : i32
      %sign3A_143 = arith.cmpi sgt, %jit3A_133, %sign3A_142 : i32
      %sign3A_144 = arith.extui %sign3A_143 : i1 to i32
      %sign3A_145 = arith.constant 0 : i32
      %sign3A_146 = arith.cmpi slt, %jit3A_133, %sign3A_145 : i32
      %sign3A_147 = arith.extui %sign3A_146 : i1 to i32
      %sign3A_148 = arith.subi %sign3A_144, %sign3A_147 : i32
      %ne3A_149 = arith.cmpi ne, %sign3A_141, %sign3A_148 : i32
      %rem3A_150 = arith.remsi %get3A_106, %jit3A_133 : i32
      %ne3A_151 = arith.constant 0 : i32
      %ne3A_152 = arith.cmpi ne, %rem3A_150, %ne3A_151 : i32
      %and3A_153 = arith.andi %ne3A_149, %ne3A_152 : i1
      %sub3A_154 = arith.constant 1 : i32
      %sub3A_155 = arith.subi %div3A_134, %sub3A_154 : i32
      %select_n3A_156 = arith.select %and3A_153, %sub3A_155, %div3A_134 : i32
      %mul3A_157 = arith.constant 128 : i32
      %mul3A_158 = arith.muli %select_n3A_156, %mul3A_157 : i32
      %rem3A_159 = arith.constant 8 : i32
      %rem3A_160 = arith.remsi %scan3A_41, %rem3A_159 : i32
      %dma_start3A = tpu.memref_slice %arg8[%rem3A_160] : memref<8x!tpu.dma_semaphore, #tpu.memory_space<semaphore_mem>> -> memref<1x!tpu.dma_semaphore, #tpu.memory_space<semaphore_mem>>
      %dma_start3A_161 = tpu.memref_squeeze %dma_start3A : memref<1x!tpu.dma_semaphore, #tpu.memory_space<semaphore_mem>> -> memref<!tpu.dma_semaphore, #tpu.memory_space<semaphore_mem>>
      %dma_start3A_162 = arith.constant 0 : i32
      %dma_start3A_163 = arith.constant 0 : i32
      %dma_start3A_164 = tpu.memref_slice %arg4[%add3A_44, %dma_start3A_162, %dma_start3A_163] : memref<1024x8x128xf32, #tpu.memory_space<any>> -> memref<1x8x128xf32, #tpu.memory_space<any>>
      %dma_start3A_165 = tpu.memref_squeeze %dma_start3A_164 : memref<1x8x128xf32, #tpu.memory_space<any>> -> memref<8x128xf32, #tpu.memory_space<any>>
      %dma_start3A_166 = tpu.memref_slice %arg3[%mul3A_132, %mul3A_158] : memref<32x1000000xf32, #tpu.memory_space<any>> -> memref<8x128xf32, #tpu.memory_space<any>>
      tpu.enqueue_dma source(%dma_start3A_166 : memref<8x128xf32, #tpu.memory_space<any>>) target(%dma_start3A_165 : memref<8x128xf32, #tpu.memory_space<any>>) target_semaphore(%dma_start3A_161 : memref<!tpu.dma_semaphore, #tpu.memory_space<semaphore_mem>>)
    }
    %scan3A_35 = arith.constant 64 : i32
    %eq3A_36 = arith.constant 15 : i32
    %eq3A_37 = arith.cmpi eq, %arg0, %eq3A_36 : i32
    %convert_element_type3A_38 = arith.extui %eq3A_37 : i1 to i32
    %cond3A_39 = arith.constant 0 : i32
    %cond3A_40 = arith.cmpi ne, %convert_element_type3A_38, %cond3A_39 : i32
    scf.if %cond3A_40 {
      %get3A_41 = arith.constant 0 : index
      %get3A_42 = arith.constant 0 : index
      %get3A_43 = vector.load %arg6[%get3A_41, %get3A_42] : memref<32x1xf32, #tpu.memory_space<vmem>>, vector<32x1xf32>
      %get3A_44 = arith.constant 0 : index
      %get3A_45 = arith.constant 0 : index
      %get3A_46 = vector.load %arg7[%get3A_44, %get3A_45] : memref<32x1xf32, #tpu.memory_space<vmem>>, vector<32x1xf32>
      %log3A = math.log %get3A_46 : vector<32x1xf32>
      %add3A_47 = arith.addf %get3A_43, %log3A : vector<32x1xf32>
      %swap3A_48 = arith.constant 0 : index
      %swap3A_49 = arith.constant 0 : index
      %swap3A_50 = vector.load %arg5[%swap3A_48, %swap3A_49] : memref<32x1xf32, #tpu.memory_space<vmem>>, vector<32x1xf32>
      tpu.vector_store %arg5[%swap3A_48, %swap3A_49], %add3A_47 {strides = array<i32>} : memref<32x1xf32, #tpu.memory_space<vmem>>, vector<32x1xf32>,
      %scan3A_51 = arith.constant 0 : i32
      %scan3A_52 = arith.constant 64 : i32
      %scan3A_53 = arith.addi %scan3A_51, %scan3A_52 : i32
      %scan3A_54 = arith.constant 1 : i32
      scf.for %scan3A_56 = %scan3A_51 to %scan3A_53 step %scan3A_54  : i32 {
        %rem3A = arith.constant 8 : i32
        %rem3A_57 = arith.remsi %scan3A_56, %rem3A : i32
        %dma_wait3A = arith.constant 0 : i32
        %dma_wait3A_58 = tpu.memref_slice %arg8[%rem3A_57] : memref<8x!tpu.dma_semaphore, #tpu.memory_space<semaphore_mem>> -> memref<1x!tpu.dma_semaphore, #tpu.memory_space<semaphore_mem>>
        %dma_wait3A_59 = tpu.memref_squeeze %dma_wait3A_58 : memref<1x!tpu.dma_semaphore, #tpu.memory_space<semaphore_mem>> -> memref<!tpu.dma_semaphore, #tpu.memory_space<semaphore_mem>>
        %dma_wait3A_60 = arith.constant 0 : i32
        %dma_wait3A_61 = arith.constant 0 : i32
        %dma_wait3A_62 = tpu.memref_slice %arg4[%dma_wait3A, %dma_wait3A_60, %dma_wait3A_61] : memref<1024x8x128xf32, #tpu.memory_space<any>> -> memref<1x8x128xf32, #tpu.memory_space<any>>
        %dma_wait3A_63 = tpu.memref_squeeze %dma_wait3A_62 : memref<1x8x128xf32, #tpu.memory_space<any>> -> memref<8x128xf32, #tpu.memory_space<any>>
        %dma_wait3A_64 = arith.constant 0 : i32
        %dma_wait3A_65 = arith.constant 0 : i32
        %dma_wait3A_66 = tpu.memref_slice %arg3[%dma_wait3A_64, %dma_wait3A_65] : memref<32x1000000xf32, #tpu.memory_space<any>> -> memref<8x128xf32, #tpu.memory_space<any>>
        tpu.wait_dma2 semaphore(%dma_wait3A_59 : memref<!tpu.dma_semaphore, #tpu.memory_space<semaphore_mem>>) src(%dma_wait3A_66 : memref<8x128xf32, #tpu.memory_space<any>>) dst(%dma_wait3A_63 : memref<8x128xf32, #tpu.memory_space<any>>)
      }
      %scan3A_55 = arith.constant 64 : i32
    } else {
    }
    return
  }
  func.func @transform_0(%arg0: i32) -> (i32, i32) {
    %c0_i32 = arith.constant 0 : i32
    %c0_i32_0 = arith.constant 0 : i32
    %c0_i32_1 = arith.constant 0 : i32
    return %c0_i32, %c0_i32_0 : i32, i32
  }
  func.func @transform_1(%arg0: i32) -> (i32, i32) {
    %c0_i32 = arith.constant 0 : i32
    %c0_i32_0 = arith.constant 0 : i32
    return %c0_i32, %arg0 : i32, i32
  }
  func.func @transform_4(%arg0: i32) -> (i32, i32) {
    %c0_i32 = arith.constant 0 : i32
    %c0_i32_0 = arith.constant 0 : i32
    %c0_i32_1 = arith.constant 0 : i32
    return %c0_i32, %c0_i32_0 : i32, i32
  }
}

</mosaic_0001>

<sc_bundles>
// kernel: kernel.4.cloned.1.call-start
scs
__scs_entry_jumppad:
0x0: {  	(pc) =	sbr.rel $0x88, $3  }
0x1: {  	(tag) =	ssettag $0x0;
	lr =	simm.s32 $0x1  }
0x2: {  	[smem:$0x3F9F] =	sst lr;
	_ =	strace $0xD0000000  }
0x3: {  	_ = 	snop  }
0x4: {  	_ = 	snop  }
0x5: {  	_ = 	snop  }
0x6: {  	_ = 	snop  }
0x7: {  	_ = 	snop  }
__scs_overlays_trampoline_lowered:
0x8: {  	[smem:$0x3FAE] =	sst s0  }
0x9: {  	[smem:$0x3FAF] =	sst s1  }
0xa: {  	[smem:$0x3FB0] =	sst s2  }
0xb: {  	[smem:$0x3FB1] =	sst s3  }
0xc: {  	[smem:$0x3FB2] =	sst s4  }
0xd: {  	[smem:$0x3FB3] =	sst s5  }
0xe: {  	[smem:$0x3FB4] =	sst s6  }
0xf: {  	[smem:$0x3FB5] =	sst s7  }
0x10: {  	[smem:$0x3FB6] =	sst s8  }
0x11: {  	[smem:$0x3FB7] =	sst s9;
	s0 =	simm.s32 @!p0 $0x0  }
0x12: {  	s1 =	sld [smem:$0x3F9D];
	s0 =	simm.s32 @p0 $0x1  }
0x13: {  	[smem:$0x3FB8] =	sst s0;
	s0 =	simm.s32 @!p1 $0x0  }
0x14: {  	s2 =	sld [smem:$0x3F9C];
	s0 =	simm.s32 @p1 $0x1  }
0x15: {  	[smem:$0x3FB9] =	sst s0;
	s0 =	simm.s32 @!p2 $0x0  }
0x16: {  	s3 =	sld [smem:$0x3FDB];
	s0 =	simm.s32 @p2 $0x1  }
0x17: {  	s4 =	simm.s32 $0x1BF5;
	[smem:$0x3FBB] =	sst s0  }
0x18: {  	s0 =	sld [smem:$0x3F9E];
	_ =	swait.ge [sflag:s4], $0x0  }
0x19: {  	s7 =	sld [smem:$0x3F9F]  }
0x1a: {  	s8 =	sadd.s32 $0xFFFFE003, lr  }
0x1b: {  	s9 =	sadd.s32 $0xFFFFFEF7, lr;
	s5 =	simm.s32 $0xFFFFFFFF;
	p2 =	slt.u32 s8, $0xFFFFF086  }
0x1c: {  	p1 =	slt.u32 s9, $0xF7A;
	s5 =	simm.s32 @!p2 $0x0  }
0x1d: {  	s5 =	simm.s32 @p1 $0x1;
	p0 =	seq.s32 s7, s2  }
0x1e: {  	s7 =	smul.u32 @!p0 $0xF7A, s2;
	p2 =	seq.s32 @!p0 s5, $0x0  }
0x1f: {  	s9 =	smul.u32 $0xF7A, s1;
	s8 =	simm.s32 @!p0 $0x1BF5;
	p2 =	por !p2, p0  }
0x20: {  	[sflag:s8] =	ssyncset.s32 @!p0 $0xFFFFF086;
	s6 =	sadd.s32 @!p0 s3, s7;
	s7 =	simm.s32 @!p0 $0x108  }
0x21: {  	s3 =	sadd.s32 s3, s9;
	s6 =	sadd.s32 @!p0 $0x88, s6;
	s7 =	simm.s32 @p2 $0x1082  }
0x22: {  	[simem:s7], [sflag:s8] =	dma.local @!p0 [hbm:s6], $0xF7A  }
0x23: {  	s9 =	sor.u32 $0xD0000000, s2;
	s6 =	simm.s32 $0x108;
	_ =	swait.ge @!p0 [sflag:s8], $0x0  }
0x24: {  	s3 =	sadd.s32 $0x88, s3;
	s6 =	simm.s32 @!p1 $0x1082;
	[sflag:s4] =	ssyncset.s32 $0xFFFFF086  }
0x25: {  	[simem:s6], [sflag:s4] =	dma.local [hbm:s3], $0xF7A  }
0x26: {  	[smem:$0x3F9F] =	sst s1;
	(tag) =	ssettag s2;
	_ =	strace s9  }
0x27: {  	s1 =	sld [smem:$0x3FAF]  }
0x28: {  	s2 =	sld [smem:$0x3FB0]  }
0x29: {  	s4 =	sld [smem:$0x3FB2]  }
0x2a: {  	p0 =	seq.s32 s5, $0x0;
	s5 =	sld [smem:$0x3FB3]  }
0x2b: {  	s6 =	sld [smem:$0x3FB4]  }
0x2c: {  	s7 =	sld [smem:$0x3FB5]  }
0x2d: {  	s3 =	simm.s32 $0x108;
	s8 =	sld [smem:$0x3FB6]  }
0x2e: {  	s3 =	simm.s32 @!p0 $0x1082;
	s9 =	sld [smem:$0x3FB7]  }
0x2f: {  	lr =	sadd.s32 s0, s3;
	s0 =	sld [smem:$0x3FAE]  }
0x30: {  	s3 =	sld [smem:$0x3FB1]  }
0x31: {  	[smem:$0x3FBA] =	sst s10  }
0x32: {  	s10 =	sld [smem:$0x3FB8];
	_ =	sdelay $0x3  }
0x33: {  	p0 =	seq.s32 s10, $0x1;
	s10 =	sld [smem:$0x3FBA];
	_ =	sdelay $0x3  }
0x34: {  	[smem:$0x3FBA] =	sst s10  }
0x35: {  	s10 =	sld [smem:$0x3FB9];
	_ =	sdelay $0x3  }
0x36: {  	p1 =	seq.s32 s10, $0x1;
	s10 =	sld [smem:$0x3FBA];
	_ =	sdelay $0x3  }
0x37: {  	[smem:$0x3FBA] =	sst s10  }
0x38: {  	s10 =	sld [smem:$0x3FBB]  }
0x39: {  	_ = 	snop;
	(pc) =	sbr.ind lr, $3  }
0x3a: {  	_ = 	snop  }
0x3b: {  	_ = 	snop  }
0x3c: {  	p2 =	seq.s32 s10, $0x1;
	s10 =	sld [smem:$0x3FBA]  }
0x3d: {  	_ =	shalt  }
0x3e: {  	_ =	shalt  }
0x3f: {  	_ =	shalt  }
0x40: {  	_ =	shalt  }
0x41: {  	_ =	shalt  }
0x42: {  	_ =	shalt  }
0x43: {  	_ =	shalt  }
0x44: {  	_ =	shalt  }
0x45: {  	_ =	shalt  }
0x46: {  	_ =	shalt  }
0x47: {  	_ =	shalt  }
0x48: {  	_ =	shalt  }
0x49: {  	_ =	shalt  }
0x4a: {  	_ =	shalt  }
0x4b: {  	_ =	shalt  }
0x4c: {  	_ =	shalt  }
0x4d: {  	_ =	shalt  }
0x4e: {  	_ =	shalt  }
0x4f: {  	_ =	shalt  }
0x50: {  	_ =	shalt  }
0x51: {  	_ =	shalt  }
0x52: {  	_ =	shalt  }
0x53: {  	_ =	shalt  }
0x54: {  	_ =	shalt  }
0x55: {  	_ =	shalt  }
0x56: {  	_ =	shalt  }
0x57: {  	_ =	shalt  }
0x58: {  	_ =	shalt  }
0x59: {  	_ =	shalt  }
0x5a: {  	_ =	shalt  }
0x5b: {  	_ =	shalt  }
0x5c: {  	_ =	shalt  }
0x5d: {  	_ =	shalt  }
0x5e: {  	_ =	shalt  }
0x5f: {  	_ =	shalt  }
0x60: {  	_ =	shalt  }
0x61: {  	_ =	shalt  }
0x62: {  	_ =	shalt  }
0x63: {  	_ =	shalt  }
0x64: {  	_ =	shalt  }
0x65: {  	_ =	shalt  }
0x66: {  	_ =	shalt  }
0x67: {  	_ =	shalt  }
0x68: {  	_ =	shalt  }
0x69: {  	_ =	shalt  }
0x6a: {  	_ =	shalt  }
0x6b: {  	_ =	shalt  }
0x6c: {  	_ =	shalt  }
0x6d: {  	_ =	shalt  }
0x6e: {  	_ =	shalt  }
0x6f: {  	_ =	shalt  }
0x70: {  	_ =	shalt  }
0x71: {  	_ =	shalt  }
0x72: {  	_ =	shalt  }
0x73: {  	_ =	shalt  }
0x74: {  	_ =	shalt  }
0x75: {  	_ =	shalt  }
0x76: {  	_ =	shalt  }
0x77: {  	_ =	shalt  }
0x78: {  	_ =	shalt  }
0x79: {  	_ =	shalt  }
0x7a: {  	_ =	shalt  }
0x7b: {  	_ =	shalt  }
0x7c: {  	_ =	shalt  }
0x7d: {  	_ =	shalt  }
0x7e: {  	_ =	shalt  }
0x7f: {  	_ =	shalt  }
0x80: {  	_ =	shalt  }
0x81: {  	_ =	shalt  }
0x82: {  	_ =	shalt  }
0x83: {  	_ =	shalt  }
0x84: {  	_ =	shalt  }
0x85: {  	_ =	shalt  }
0x86: {  	_ =	shalt  }
0x87: {  	_ =	shalt  }
.Lfunc_end0:
.L_simem_size_0:
called_computation_lowered:
.L_overlay_start_0:
0x88: {  	s2 =	sld [smem:$0x3FD9]  }
0x89: {  	s3 =	sld [smem:$0x3FFE];
	_ =	sdelay $0x1  }
0x8a: {  	s1 =	srdreg.scid  }
0x8b: {  	s0 =	sand.u32 $0x1, s1  }
0x8c: {  	s17 =	sshll.u32 s0, $0xA;
	s2 =	sadd.s32 s3, s2  }
0x8d: {  	s2 =	sadd.s32 s2, s17  }
0x8e: {  	[smem:$0x3FC6] =	sst s2  }
0x8f: {  	_ = 	snop  }
0x90: {  	s2 =	sld [smem:$0x3FC9]  }
0x91: {  	s18 =	sld [smem:$0x3FD0];
	(tm) =	ssettm $0x1  }
0x92: {  	s4 =	sld [smem:$0x3FFB];
	_ =	sdelay $0x3  }
0x93: {  	_ =	strace s4  }
0x94: {  	s4 =	sld [smem:$0x3FFC];
	_ =	sdelay $0x3  }
0x95: {  	_ =	strace s4  }
0x96: {  	s4 =	sld [smem:$0x3FFD];
	_ =	sdelay $0x3  }
0x97: {  	_ =	strace s4  }
0x98: {  	_ =	strace $0x8FFFFFFF  }
0x99: {  	s19 =	sld [smem:$0x3FDB];
	_ =	sdelay $0x1  }
0x9a: {  	s5 =	simm.s32 $_scs_section_size  }
0x9b: {  	s6 =	simm.s32 $_size__tile_overlayer_lowered;
	s7 =	simm.s32 $_tile_overlayer_lowered  }
0x9c: {  	s22 =	simm.s32 $0x1BFF;
	s21 =	sshll.u32 s7, $0x1;
	s4 =	sadd.s32 s5, s19  }
0x9d: {  	s8 =	simm.s32 $0x0;
	s20 =	sshll.u32 s6, $0x1;
	s6 =	sadd.s32 s21, s4  }
0x9e: {  	[timem:s8], [sflag:s22] =	dma.local [hbm:s6], s20  }
0x9f: {  	_ =	swait.ge [sflag:s22], s20  }
0xa0: {  	s5 =	ssub.s32 $0x0, s20;
	[sflag:s22] =	ssyncset.done $0x0  }
0xa1: {  	[sflag:s22] =	ssyncadd.s32 s5;
	_ =	sdelay $0x1  }
0xa2: {  	s23 =	simm.s32 $0x1B8B  }
0xa3: {  	_ =	swait.ge [sflag:s23], $0x1  }
0xa4: {  	[sflag:s23] =	ssyncset.done $0x0  }
0xa5: {  	s25 =	simm.s32 $0x1B8E;
	s24 =	sld [smem:$0x3FFE];
	[sflag:s23] =	ssyncadd.s32 $0xFFFFFFFF  }
0xa6: {  	s26 =	simm.s32 $execute0_lowered;
	[smem:$0x3FD2] =	sst s25  }
0xa7: {  	s6 =	sshll.u32 s26, $0x1;
	_ =	strace $0x80000046;
	[dreg:$0x1] =	wrdreg $0xFFFFFFFF  }
0xa8: {  	s28 =	simm.s32 $_size_execute0_lowered;
	s4 =	sadd.s32 s4, s6;
	[dreg:$0x0] =	wrdreg $0x0  }
0xa9: {  	s6 =	sshll.u32 s28, $0x1;
	[dreg:$0x2] =	wrdreg s4  }
0xaa: {  	[dreg:$0x3] =	wrdreg s6  }
0xab: {  	[dreg:$0x4] =	wrdreg $0xC0  }
0xac: {  	_ =	task [dreg:s8], $0x5FFFF  }
0xad: {  	[dreg:$0x1] =	wrdreg $0xFFFFFFFF  }
0xae: {  	[dreg:$0x0] =	wrdreg $0x60  }
0xaf: {  	[dreg:$0x2] =	wrdreg s2  }
0xb0: {  	[dreg:$0x3] =	wrdreg s24  }
0xb1: {  	[dreg:$0x4] =	wrdreg s18  }
0xb2: {  	[dreg:$0x5] =	wrdreg $0x9  }
0xb3: {  	_ =	task.clear_ibuf [dreg:s8], $0x6FFFF;
	_ =	strace $0x90000046  }
0xb4: {  	s29 =	simm.s32 $0x9;
	_ =	strace $0x80000048  }
0xb5: {  	_ =	swait.ge [sflag:s29], $0x1  }
0xb6: {  	[sflag:s29] =	ssyncadd.s32 $0xFFFFFFFF  }
0xb7: {  	_ =	strace $0x90000048  }
0xb8: {  	_ =	sfence  }
0xb9: {  	s30 =	sld [smem:$0x0];
	_ =	sdelay $0x2  }
0xba: {  	s31 =	sshll.u32 s1, $0xD;
	s1 =	sshrl.u32 s1, $0x2  }
0xbb: {  	s3 =	sand.u32 $0x4000, s31;
	s1 =	sadd.s32 s1, s30  }
0xbc: {  	s0 =	sor.u32 s3, s0;
	s1 =	sshll.u32 s1, $0x11  }
0xbd: {  	s0 =	sor.u32 s1, s0  }
0xbe: {  	s0 =	sadd.s32 $0x8F2B, s0  }
0xbf: {  	[sflag:s0] =	ssyncadd.remote.s32 $0x1  }
0xc0: {  	_ =	sfence.sel $0xFFFF  }
0xc1: {  	[dreg:$0x0] =	wrdreg $0xFFFFFFFF;
	(pc) =	sbr.abs _section_cstart, $3  }
0xc2: {  	[dreg:$0x1] =	wrdreg $0xFFFFFFFF  }
0xc3: {  	_ =	task.clear_ibuf [dreg:s8], $0x2FFFF;
	_ =	strace $0x9FFFFFFF  }
0xc4: {  	(tm) =	ssettm $0x7FFFFFFF  }
0xc5: {  	_ =	shalt  }
tec
execute0_lowered:
.L_overlay_start_1:
0x0: {  	(tag) =	ssettag $0x1  }
0x1: {  	s3 =	rddreg [dreg:$0x0]  }
0x2: {  	s7 =	rddreg [dreg:$0x1]  }
0x3: {  	s1 =	srdreg.scid;
	s0 =	stileid.u32  }
0x4: {  	s9 =	rddreg [dreg:$0x2];
	s10 =	sand.u32 $0x1, s1;
	s4 =	sshll.u32 s0, $0x1  }
0x5: {  	s2 =	simm.s32 $0x0;
	s1 =	rddreg [dreg:$0x3];
	s11 =	sor.u32 s10, s4  }
0x6: {  	[smem:$0x7FF] =	sst s2;
	s12 =	sshll.u32 s11, $0x4  }
0x7: {  	_ =	strace $0x80000047;
	s4 =	sadd.s32 s3, s12;
	s3 =	simm.s32 $0x1  }
0x8: {  	[tilespmem:s2], [sflag:$0x1] =	stream.linear.gather [hbm4b:s4+s2], $0x80, $0x38;
	[tilespmem:$0x8180] =	vst v63  }
0x9: {  	_ =	swait.ge [sflag:s3], $0x80  }
0xa: {  	[sflag:s3] =	ssyncset.done $0x0  }
0xb: {  	s6 =	simm.s32 $0x8080;
	s5 =	sadd.s32 $0x20600, s7;
	[sflag:s3] =	ssyncadd.s32 $0xFFFFFF80  }
0xc: {  	[tilespmem:s6], [sflag:$0x1] =	stream.linear.gather [hbm4b:s5+s2], $0x80, $0x38;
	[tilespmem:$0x8180] =	vst v63  }
0xd: {  	s8 =	sshll.u32 s11, $0xC;
	_ =	swait.ge [sflag:s3], $0x80  }
0xe: {  	s7 =	sadd.s32 s8, s7;
	[sflag:s3] =	ssyncset.done $0x0  }
0xf: {  	s8 =	simm.s32 $0x80;
	s7 =	sadd.s32 $0x600, s7;
	[sflag:s3] =	ssyncadd.s32 $0xFFFFFF80  }
0x10: {  	[tilespmem:s8], [sflag:$0x1] =	stream.linear.gather [hbm4b:s7+s2], $0x8000, $0x38;
	[tilespmem:$0x8180] =	vst v63  }
0x11: {  	_ =	swait.ge [sflag:s3], $0x8000  }
0x12: {  	[sflag:s3] =	ssyncset.done $0x0  }
0x13: {  	[sflag:s3] =	ssyncadd.s32 $0xFFFF8000  }
0x14: {  	v2 =	vld [tilespmem:$0x0];
	_ =	sdelay $0x1  }
0x15: {  	v0 =	vlaneseq.u32  }
0x16: {  	v3 =	vmul.u32 $0x400, v0;
	s13 =	sand.u32 $0x7, s11  }
0x17: {  	s13 =	sshll.u32 s13, $0x7  }
0x18: {  	v0 =	vmov s11;
	v1 =	vor.u32 s13, v3;
	v2 =	vand.u32 $0x7F, v2  }
0x19: {  	v2 =	vor.u32 v2, v1;
	_ =	sdelay $0x1  }
0x1a: {  	v4 =	vld [tilespmem:$0x10];
	_ =	sdelay $0x1  }
0x1b: {  	v5 =	vld.idx.msk [tilespmem:v0+s6+$0x0], $0xffff  }
0x1c: {  	v6 =	vld.idx.msk [tilespmem:v2+s8+$0x0], $0xffff  }
0x1d: {  	v2 =	vor.u32 $0x4000, v3  }
0x1e: {  	v3 =	vand.u32 $0x7F, v4;
	v2 =	vor.u32 s13, v2  }
0x1f: {  	v3 =	vor.u32 v3, v2;
	_ =	sdelay $0x1  }
0x20: {  	v63 =	vsub.f32 v6, v5;
	_ =	sdelay $0x1  }
0x21: {  	[tilespmem:$0x8100] =	vst v63  }
0x22: {  	v3 =	vld.idx.msk [tilespmem:v3+s8+$0x0], $0xffff  }
0x23: {  	s10 =	ssub.s32 $0x2, s10  }
0x24: {  	s31 =	sshrl.u32 s10, $0x1  }
0x25: {  	s10 =	ssub.s32 s10, s31  }
0x26: {  	s11 =	smax.u32 s10, $0x1  }
0x27: {  	p0 =	sne.s32 s11, $0x1;
	v3 =	vsub.f32 v3, v5  }
.Ltmp0:
0x28: {  	_ = 	snop;
	(pc) =	sbr.rel @!p0 .LBB2_2-.Ltmp0, $4  }
0x29: {  	s9 =	sadd.s32 s9, s12;
	s10 =	simm.s32 $0x8100;
	[tilespmem:$0x8110] =	vst v3  }
0x2a: {  	[hbm4b:s9+s2] =	stream.linear.scatter [tilespmem:s10], [sflag:$0x1], $0x80, $0x38;
	[tilespmem:$0x8180] =	vst v63  }
0x2b: {  	_ =	swait.ge [sflag:s3], $0x80  }
0x2c: {  	s11 =	sadd.s32 $0xFFFFFFFF, s11;
	[sflag:s3] =	ssyncset.done $0x0  }
.LBB2_1:
0x2d: {  	p0 =	sne.s32 s11, $0x1;
	s11 =	sadd.s32 $0xFFFFFFFF, s11;
	[sflag:s3] =	ssyncadd.s32 $0xFFFFFF80  }
0x2e: {  	[tilespmem:s2], [sflag:$0x1] =	stream.linear.gather [hbm4b:s4+s2], $0x80, $0x38;
	[tilespmem:$0x8180] =	vst v63  }
0x2f: {  	_ =	swait.ge [sflag:s3], $0x80  }
0x30: {  	[sflag:s3] =	ssyncset.done $0x0  }
0x31: {  	[sflag:s3] =	ssyncadd.s32 $0xFFFFFF80  }
0x32: {  	[tilespmem:s6], [sflag:$0x1] =	stream.linear.gather [hbm4b:s5+s2], $0x80, $0x38;
	[tilespmem:$0x8180] =	vst v63  }
0x33: {  	_ =	swait.ge [sflag:s3], $0x80  }
0x34: {  	[sflag:s3] =	ssyncset.done $0x0  }
0x35: {  	[sflag:s3] =	ssyncadd.s32 $0xFFFFFF80  }
0x36: {  	[tilespmem:s8], [sflag:$0x1] =	stream.linear.gather [hbm4b:s7+s2], $0x8000, $0x38;
	[tilespmem:$0x8180] =	vst v63  }
0x37: {  	_ =	swait.ge [sflag:s3], $0x8000  }
0x38: {  	[sflag:s3] =	ssyncset.done $0x0  }
0x39: {  	[sflag:s3] =	ssyncadd.s32 $0xFFFF8000  }
0x3a: {  	v3 =	vld [tilespmem:$0x0]  }
0x3b: {  	v4 =	vld [tilespmem:$0x10];
	_ =	sdelay $0x3  }
0x3c: {  	v3 =	vand.u32 $0x7F, v3  }
0x3d: {  	v3 =	vor.u32 v3, v1;
	v4 =	vand.u32 $0x7F, v4;
	_ =	sdelay $0x3  }
0x3e: {  	v5 =	vld.idx.msk [tilespmem:v0+s6+$0x0], $0xffff  }
0x3f: {  	v3 =	vld.idx.msk [tilespmem:v3+s8+$0x0], $0xffff;
	_ =	sdelay $0x3  }
0x40: {  	v4 =	vor.u32 v4, v2;
	_ =	sdelay $0x1  }
0x41: {  	v3 =	vsub.f32 v3, v5;
	_ =	sdelay $0x1  }
0x42: {  	[tilespmem:$0x8100] =	vst v3  }
0x43: {  	v3 =	vld.idx.msk [tilespmem:v4+s8+$0x0], $0xffff;
	_ =	sdelay $0x5  }
0x44: {  	v3 =	vsub.f32 v3, v5  }
.Ltmp1:
0x45: {  	(pc) =	sbr.rel @p0 .LBB2_1-.Ltmp1, $4  }
0x46: {  	[tilespmem:$0x8110] =	vst v3  }
0x47: {  	[hbm4b:s9+s2] =	stream.linear.scatter [tilespmem:s10], [sflag:$0x1], $0x80, $0x38;
	[tilespmem:$0x8180] =	vst v63  }
0x48: {  	_ =	swait.ge [sflag:s3], $0x80  }
0x49: {  	[sflag:s3] =	ssyncset.done $0x0  }
.LBB2_2:
0x4a: {  	[sflag:s3] =	ssyncadd.s32 $0xFFFFFF80  }
0x4b: {  	_ =	sfence.sel $0x180000  }
0x4c: {  	[bflag:$0x0] =	sbarrier.arrive $0xFFFF  }
0x4d: {  	p0 =	sne.s32 s0, $0x0;
	_ =	strace $0x90000047  }
0x4e: {  	s0 =	sadd.s32 @!p0 $0x100000, s1;
	[bflag:$0x2] =	sbarrier.arrive $0xFFFF  }
0x4f: {  	[sflag:s0] =	ssyncadd.tile.s32 @!p0 $0x1;
	_ =	shalt  }
.Lfunc_end2:
_tile_overlayer_lowered:
.L_overlay_start_2:
0x50: {  	(tag) =	ssettag $0x2  }
0x51: {  	s0 =	rddreg [dreg:$0x0];
	s2 =	stileid.u32  }
0x52: {  	s1 =	rddreg [dreg:$0x1];
	p0 =	sne.s32 s2, $0x0  }
0x53: {  	s3 =	rddreg [dreg:$0x2];
	[bflag:$0x3] =	sbarrier.arrive $0xFFFF;
	s2 =	simm.s32 @!p0 $0x1C01  }
0x54: {  	[timem:s3], [sflag:s2] =	dma.local @!p0 [hbm:s0], s1  }
0x55: {  	s0 =	simm.s32 @!p0 $0x1  }
0x56: {  	_ =	swait.ge @!p0 [sflag:s0], s1  }
0x57: {  	s1 =	ssub.s32 @!p0 $0x0, s1;
	[sflag:s0] =	ssyncset.done @!p0 $0x0  }
0x58: {  	[sflag:s0] =	ssyncadd.s32 @!p0 s1  }
0x59: {  	[bflag:$0x3] =	sbarrier.arrive $0xFFFF  }
0x5a: {  	_ =	shalt  }

</sc_bundles>
